<compile_context>
chip_gen: v7x
topology: tpu7x:2x2x1
jax: 0.10.2.dev20260603
libtpu: 0.0.44.dev20260713+nightly
codegen_flags: <defaults>
</compile_context>

<pallas_src>
import jax
import jax.numpy as jnp
from jax.experimental import pallas as pl

_B, _N, _C = 8, 20000, 91
_G = 16
_NG = _N // _G
_KROWS = 128
_KOUT = 100


def _extract_topk(x, k, width):
    iota = jax.lax.broadcasted_iota(jnp.int32, (_B, width), 1)
    lane = jax.lax.broadcasted_iota(jnp.int32, (_B, k), 1)

    def body(i, carry):
        x, accv, accq = carry
        m = jnp.max(x, axis=1, keepdims=True)
        idx = jnp.min(jnp.where(x == m, iota, jnp.int32(width)), axis=1,
                      keepdims=True)
        accv = jnp.where(lane == i, m, accv)
        accq = jnp.where(lane == i, idx, accq)
        x = jnp.where(iota == idx, -jnp.inf, x)
        return x, accv, accq

    _, vals, qs = jax.lax.fori_loop(
        0, k, body,
        (x, jnp.zeros((_B, k), jnp.float32), jnp.zeros((_B, k), jnp.int32)))
    return vals, qs


def _rowmax_kernel(x_ref, o_ref):
    xt = x_ref[0].T
    o_ref[...] = jnp.max(xt, axis=0)[None, None, :]


def _topgroups_kernel(rm_ref, grp_ref):
    gm = jnp.max(rm_ref[...].reshape(_B, _NG, _G), axis=2)
    _, qs = _extract_topk(gm, _KROWS, _NG)
    grp_ref[...] = qs


def _toprows_kernel(win_ref, q_ref):
    _, qs = _extract_topk(win_ref[...], _KROWS, _KROWS * _G)
    q_ref[...] = qs


def _topk_kernel(cand_ref, scores_ref, q_ref):
    vals, qs = _extract_topk(cand_ref[...], _KOUT, _KROWS * _C)
    scores_ref[...] = jax.nn.sigmoid(vals)
    q_ref[...] = qs


def _full_spec(*shape):
    return pl.BlockSpec(shape, lambda: tuple(0 for _ in shape))


def kernel(pred_logits, pred_boxes, target_sizes):
    del target_sizes
    rowmax = pl.pallas_call(
        _rowmax_kernel,
        grid=(_B,),
        in_specs=[pl.BlockSpec((1, _N, _C), lambda b: (b, 0, 0))],
        out_specs=pl.BlockSpec((1, 1, _N), lambda b: (b, 0, 0)),
        out_shape=jax.ShapeDtypeStruct((_B, 1, _N), jnp.float32),
    )(pred_logits).reshape(_B, _N)

    top_groups = pl.pallas_call(
        _topgroups_kernel,
        in_specs=[_full_spec(_B, _N)],
        out_specs=_full_spec(_B, _KROWS),
        out_shape=jax.ShapeDtypeStruct((_B, _KROWS), jnp.int32),
    )(rowmax)

    top_groups = jnp.sort(top_groups, axis=1)
    win_rows = (top_groups[:, :, None] * _G +
                jnp.arange(_G, dtype=jnp.int32)[None, None, :])
    win_rows = win_rows.reshape(_B, _KROWS * _G)
    windows = jnp.take_along_axis(rowmax, win_rows, axis=1)

    rq = pl.pallas_call(
        _toprows_kernel,
        in_specs=[_full_spec(_B, _KROWS * _G)],
        out_specs=_full_spec(_B, _KROWS),
        out_shape=jax.ShapeDtypeStruct((_B, _KROWS), jnp.int32),
    )(windows)

    return rq, rq, rq
    cand_rows = jnp.take_along_axis(win_rows, rq, axis=1)
    cand_rows = jnp.sort(cand_rows, axis=1)
    cand = jnp.take_along_axis(
        pred_logits, cand_rows[:, :, None], axis=1).reshape(_B, _KROWS * _C)

    scores, q = pl.pallas_call(
        _topk_kernel,
        in_specs=[_full_spec(_B, _KROWS * _C)],
        out_specs=[_full_spec(_B, _KOUT), _full_spec(_B, _KOUT)],
        out_shape=[
            jax.ShapeDtypeStruct((_B, _KOUT), jnp.float32),
            jax.ShapeDtypeStruct((_B, _KOUT), jnp.int32),
        ],
    )(cand)

    labels = q % _C
    topk_rows = jnp.take_along_axis(cand_rows, q // _C, axis=1)
    boxes = jnp.take_along_axis(pred_boxes, topk_rows[:, :, None], axis=1)
    return scores, labels, boxes

# --- scband reference (transcript-rebuilt; emitter-appended) ---
"""Pipeline reference for scband-proposal-process-v0-52329881534481 (READ-ONLY COPY).

The authoritative reference and input builder live on the scoring server;
editing this copy changes nothing except your own understanding.
"""

import jax, jax.numpy as jnp
import numpy as np

NUM_SELECT = 100
MIN_SCORE = -1.0

def setup_inputs(seed: int = 0) -> dict:
    key = jax.random.key(seed)
    k1, k2, k3 = jax.random.split(key, 3)
    pred_logits = jax.random.normal(k1, (8, 20000, 91), dtype=jnp.float32)
    pred_boxes = jax.random.uniform(k2, (8, 20000, 4), dtype=jnp.float32)
    target_sizes = jax.random.randint(k3, (8, 2), 0, 1333, dtype=jnp.int32)
    return {"pred_logits": pred_logits, "pred_boxes": pred_boxes, "target_sizes": target_sizes}

def reference(pred_logits, pred_boxes, target_sizes):
    # outputs dict in the torch module is {'pred_logits': pred_logits, 'pred_boxes': pred_boxes};
    # target_sizes is accepted but unused by this version of the module.
    B, N, C = pred_logits.shape
    prob = jax.nn.sigmoid(pred_logits)
    flat = prob.reshape(B, N * C)
    topk_values, topk_indexes = jax.lax.top_k(flat, NUM_SELECT)
    scores = topk_values
    topk_boxes = topk_indexes // C
    labels = topk_indexes % C
    boxes = jnp.take_along_axis(pred_boxes, topk_boxes[:, :, None], axis=1)
    # min_score = -1 and scores = sigmoid(...) in (0,1), so the per-image mask
    # (s > min_score) is all-True; shapes are static and identical across batch.
    return scores, labels, boxes

if __name__ == "__main__":
    import jax
    _d = setup_inputs()
    print(jax.jit(kernel)(*tuple(_d.values())))

</pallas_src>

<mosaic_0001>
module attributes {stable_mosaic.version = 14 : i64} {
  func.func @_topgroups_kernel(%arg0: memref<8x20000xf32, #tpu.memory_space<vmem>>, %arg1: memref<8x128xi32, #tpu.memory_space<vmem>>) attributes {dimension_semantics = [], scalar_prefetch = 0 : i64, scratch_operands = 0 : i64, tpu.core_type = #tpu.core_type<tc>} {
    %get3A = arith.constant 0 : index
    %get3A_0 = arith.constant 0 : index
    %get3A_1 = vector.load %arg0[%get3A, %get3A_0] : memref<8x20000xf32, #tpu.memory_space<vmem>>, vector<8x20000xf32>
    %reshape3A = vector.shape_cast %get3A_1 : vector<8x20000xf32> to vector<8x1250x16xf32>
    %reduce_max3A = arith.constant dense<0xFF800000> : vector<8x1250xf32>
    %reduce_max3A_2 = vector.multi_reduction <maximumf>, %reshape3A, %reduce_max3A [2] : vector<8x1250x16xf32> to vector<8x1250xf32>
    %iota3A = tpu.iota {dimensions = array<i32: 1>} : vector<8x1250xi32>
    %iota3A_3 = tpu.iota {dimensions = array<i32: 1>} : vector<8x128xi32>
    %broadcast_in_dim3A = arith.constant 0 : i32
    %broadcast_in_dim3A_4 = vector.broadcast %broadcast_in_dim3A : i32 to vector<8x128xi32>
    %scan3A = arith.constant 0 : i32
    %scan3A_5 = arith.constant 128 : i32
    %scan3A_6 = arith.addi %scan3A, %scan3A_5 : i32
    %scan3A_7 = arith.constant 1 : i32
    %scan3A_8:2 = scf.for %scan3A_12 = %scan3A to %scan3A_6 step %scan3A_7 iter_args(%scan3A_13 = %reduce_max3A_2, %scan3A_14 = %broadcast_in_dim3A_4) -> (vector<8x1250xf32>, vector<8x128xi32>)  : i32 {
      %reduce_max3A_15 = arith.constant dense<0xFF800000> : vector<8xf32>
      %reduce_max3A_16 = vector.multi_reduction <maximumf>, %scan3A_13, %reduce_max3A_15 [1] : vector<8x1250xf32> to vector<8xf32>
      %broadcast_in_dim3A_17 = vector.shape_cast %reduce_max3A_16 : vector<8xf32> to vector<8x1xf32>
      %eq3A = vector.broadcast %broadcast_in_dim3A_17 : vector<8x1xf32> to vector<8x1250xf32>
      %eq3A_18 = arith.cmpf oeq, %scan3A_13, %eq3A : vector<8x1250xf32>
      %jit3A = arith.constant 1250 : i32
      %broadcast_in_dim3A_19 = vector.broadcast %jit3A : i32 to vector<8x1250xi32>
      %select_n3A = arith.select %eq3A_18, %iota3A, %broadcast_in_dim3A_19 : vector<8x1250xi1>, vector<8x1250xi32>
      %reduce_min3A = arith.constant dense<2147483647> : vector<8xi32>
      %reduce_min3A_20 = vector.multi_reduction <minsi>, %select_n3A, %reduce_min3A [1] : vector<8x1250xi32> to vector<8xi32>
      %broadcast_in_dim3A_21 = vector.shape_cast %reduce_min3A_20 : vector<8xi32> to vector<8x1xi32>
      %eq3A_22 = vector.broadcast %scan3A_12 : i32 to vector<8x128xi32>
      %eq3A_23 = arith.cmpi eq, %iota3A_3, %eq3A_22 : vector<8x128xi32>
      %broadcast_in_dim3A_24 = vector.shape_cast %broadcast_in_dim3A_21 : vector<8x1xi32> to vector<8x1xi32>
      %broadcast_in_dim3A_25 = vector.broadcast %broadcast_in_dim3A_24 : vector<8x1xi32> to vector<8x128xi32>
      %select_n3A_26 = arith.select %eq3A_23, %broadcast_in_dim3A_25, %scan3A_14 : vector<8x128xi1>, vector<8x128xi32>
      %eq3A_27 = vector.broadcast %broadcast_in_dim3A_21 : vector<8x1xi32> to vector<8x1250xi32>
      %eq3A_28 = arith.cmpi eq, %iota3A, %eq3A_27 : vector<8x1250xi32>
      %jit3A_29 = arith.constant 0xFF800000 : f32
      %broadcast_in_dim3A_30 = vector.broadcast %jit3A_29 : f32 to vector<8x1250xf32>
      %select_n3A_31 = arith.select %eq3A_28, %broadcast_in_dim3A_30, %scan3A_13 : vector<8x1250xi1>, vector<8x1250xf32>
      scf.yield %select_n3A_31, %select_n3A_26 : vector<8x1250xf32>, vector<8x128xi32>
    }
    %scan3A_9 = arith.constant 128 : i32
    %swap3A = arith.constant 0 : index
    %swap3A_10 = arith.constant 0 : index
    %swap3A_11 = vector.load %arg1[%swap3A, %swap3A_10] : memref<8x128xi32, #tpu.memory_space<vmem>>, vector<8x128xi32>
    tpu.vector_store %arg1[%swap3A, %swap3A_10], %scan3A_8#1 {strides = array<i32>} : memref<8x128xi32, #tpu.memory_space<vmem>>, vector<8x128xi32>,
    return
  }
}

module attributes {stable_mosaic.version = 14 : i64} {
  func.func @_rowmax_kernel(%arg0: i32, %arg1: memref<1x20000x91xf32, #tpu.memory_space<vmem>>, %arg2: memref<1x1x20000xf32, #tpu.memory_space<vmem>>) attributes {dimension_semantics = [#tpu.dimension_semantics<arbitrary>], iteration_bounds = array<i64: 8>, scalar_prefetch = 0 : i64, scratch_operands = 0 : i64, tpu.core_type = #tpu.core_type<tc>, window_params = [{transform_indices = @transform_0, window_bounds = array<i64: 1, 20000, 91>}, {transform_indices = @transform_1, window_bounds = array<i64: 1, 1, 20000>}]} {
    %get3A = arith.constant 0 : index
    %get3A_0 = arith.constant 0 : index
    %get3A_1 = arith.constant 0 : index
    %get3A_2 = vector.load %arg1[%get3A, %get3A_0, %get3A_1] : memref<1x20000x91xf32, #tpu.memory_space<vmem>>, vector<1x20000x91xf32>
    %get3A_3 = vector.shape_cast %get3A_2 : vector<1x20000x91xf32> to vector<20000x91xf32>
    %transpose3A = tpu.transpose %get3A_3, [1, 0] : vector<20000x91xf32> -> vector<91x20000xf32>
    %reduce_max3A = arith.constant dense<0xFF800000> : vector<20000xf32>
    %reduce_max3A_4 = vector.multi_reduction <maximumf>, %transpose3A, %reduce_max3A [0] : vector<91x20000xf32> to vector<20000xf32>
    %broadcast_in_dim3A = vector.shape_cast %reduce_max3A_4 : vector<20000xf32> to vector<1x1x20000xf32>
    %swap3A = arith.constant 0 : index
    %swap3A_5 = arith.constant 0 : index
    %swap3A_6 = arith.constant 0 : index
    %swap3A_7 = vector.load %arg2[%swap3A, %swap3A_5, %swap3A_6] : memref<1x1x20000xf32, #tpu.memory_space<vmem>>, vector<1x1x20000xf32>
    tpu.vector_store %arg2[%swap3A, %swap3A_5, %swap3A_6], %broadcast_in_dim3A {strides = array<i32>} : memref<1x1x20000xf32, #tpu.memory_space<vmem>>, vector<1x1x20000xf32>,
    return
  }
  func.func @transform_0(%arg0: i32) -> (i32, i32, i32) {
    %c0_i32 = arith.constant 0 : i32
    %c0_i32_0 = arith.constant 0 : i32
    %c0_i32_1 = arith.constant 0 : i32
    return %arg0, %c0_i32, %c0_i32_0 : i32, i32, i32
  }
  func.func @transform_1(%arg0: i32) -> (i32, i32, i32) {
    %c0_i32 = arith.constant 0 : i32
    %c0_i32_0 = arith.constant 0 : i32
    %c0_i32_1 = arith.constant 0 : i32
    return %arg0, %c0_i32, %c0_i32_0 : i32, i32, i32
  }
}

module attributes {stable_mosaic.version = 14 : i64} {
  func.func @_toprows_kernel(%arg0: memref<8x2048xf32, #tpu.memory_space<vmem>>, %arg1: memref<8x128xi32, #tpu.memory_space<vmem>>) attributes {dimension_semantics = [], scalar_prefetch = 0 : i64, scratch_operands = 0 : i64, tpu.core_type = #tpu.core_type<tc>} {
    %get3A = arith.constant 0 : index
    %get3A_0 = arith.constant 0 : index
    %get3A_1 = vector.load %arg0[%get3A, %get3A_0] : memref<8x2048xf32, #tpu.memory_space<vmem>>, vector<8x2048xf32>
    %iota3A = tpu.iota {dimensions = array<i32: 1>} : vector<8x2048xi32>
    %iota3A_2 = tpu.iota {dimensions = array<i32: 1>} : vector<8x128xi32>
    %broadcast_in_dim3A = arith.constant 0 : i32
    %broadcast_in_dim3A_3 = vector.broadcast %broadcast_in_dim3A : i32 to vector<8x128xi32>
    %scan3A = arith.constant 0 : i32
    %scan3A_4 = arith.constant 128 : i32
    %scan3A_5 = arith.addi %scan3A, %scan3A_4 : i32
    %scan3A_6 = arith.constant 1 : i32
    %scan3A_7:2 = scf.for %scan3A_11 = %scan3A to %scan3A_5 step %scan3A_6 iter_args(%scan3A_12 = %get3A_1, %scan3A_13 = %broadcast_in_dim3A_3) -> (vector<8x2048xf32>, vector<8x128xi32>)  : i32 {
      %reduce_max3A = arith.constant dense<0xFF800000> : vector<8xf32>
      %reduce_max3A_14 = vector.multi_reduction <maximumf>, %scan3A_12, %reduce_max3A [1] : vector<8x2048xf32> to vector<8xf32>
      %broadcast_in_dim3A_15 = vector.shape_cast %reduce_max3A_14 : vector<8xf32> to vector<8x1xf32>
      %eq3A = vector.broadcast %broadcast_in_dim3A_15 : vector<8x1xf32> to vector<8x2048xf32>
      %eq3A_16 = arith.cmpf oeq, %scan3A_12, %eq3A : vector<8x2048xf32>
      %jit3A = arith.constant 2048 : i32
      %broadcast_in_dim3A_17 = vector.broadcast %jit3A : i32 to vector<8x2048xi32>
      %select_n3A = arith.select %eq3A_16, %iota3A, %broadcast_in_dim3A_17 : vector<8x2048xi1>, vector<8x2048xi32>
      %reduce_min3A = arith.constant dense<2147483647> : vector<8xi32>
      %reduce_min3A_18 = vector.multi_reduction <minsi>, %select_n3A, %reduce_min3A [1] : vector<8x2048xi32> to vector<8xi32>
      %broadcast_in_dim3A_19 = vector.shape_cast %reduce_min3A_18 : vector<8xi32> to vector<8x1xi32>
      %eq3A_20 = vector.broadcast %scan3A_11 : i32 to vector<8x128xi32>
      %eq3A_21 = arith.cmpi eq, %iota3A_2, %eq3A_20 : vector<8x128xi32>
      %broadcast_in_dim3A_22 = vector.shape_cast %broadcast_in_dim3A_19 : vector<8x1xi32> to vector<8x1xi32>
      %broadcast_in_dim3A_23 = vector.broadcast %broadcast_in_dim3A_22 : vector<8x1xi32> to vector<8x128xi32>
      %select_n3A_24 = arith.select %eq3A_21, %broadcast_in_dim3A_23, %scan3A_13 : vector<8x128xi1>, vector<8x128xi32>
      %eq3A_25 = vector.broadcast %broadcast_in_dim3A_19 : vector<8x1xi32> to vector<8x2048xi32>
      %eq3A_26 = arith.cmpi eq, %iota3A, %eq3A_25 : vector<8x2048xi32>
      %jit3A_27 = arith.constant 0xFF800000 : f32
      %broadcast_in_dim3A_28 = vector.broadcast %jit3A_27 : f32 to vector<8x2048xf32>
      %select_n3A_29 = arith.select %eq3A_26, %broadcast_in_dim3A_28, %scan3A_12 : vector<8x2048xi1>, vector<8x2048xf32>
      scf.yield %select_n3A_29, %select_n3A_24 : vector<8x2048xf32>, vector<8x128xi32>
    }
    %scan3A_8 = arith.constant 128 : i32
    %swap3A = arith.constant 0 : index
    %swap3A_9 = arith.constant 0 : index
    %swap3A_10 = vector.load %arg1[%swap3A, %swap3A_9] : memref<8x128xi32, #tpu.memory_space<vmem>>, vector<8x128xi32>
    tpu.vector_store %arg1[%swap3A, %swap3A_9], %scan3A_7#1 {strides = array<i32>} : memref<8x128xi32, #tpu.memory_space<vmem>>, vector<8x128xi32>,
    return
  }
}

</mosaic_0001>

<sc_bundles>
// kernel: gather_offload_async_start
scs
__scs_entry_jumppad:
0x0: {  	(pc) =	sbr.rel $0x88, $3  }
0x1: {  	(tag) =	ssettag $0x0;
	lr =	simm.s32 $0x1  }
0x2: {  	[smem:$0x3FA0] =	sst lr;
	_ =	strace $0xD0000000  }
0x3: {  	_ = 	snop  }
0x4: {  	_ = 	snop  }
0x5: {  	_ = 	snop  }
0x6: {  	_ = 	snop  }
0x7: {  	_ = 	snop  }
__scs_overlays_trampoline_lowered:
0x8: {  	[smem:$0x3FAF] =	sst s0  }
0x9: {  	[smem:$0x3FB0] =	sst s1  }
0xa: {  	[smem:$0x3FB1] =	sst s2  }
0xb: {  	[smem:$0x3FB2] =	sst s3  }
0xc: {  	[smem:$0x3FB3] =	sst s4  }
0xd: {  	[smem:$0x3FB4] =	sst s5  }
0xe: {  	[smem:$0x3FB5] =	sst s6  }
0xf: {  	[smem:$0x3FB6] =	sst s7  }
0x10: {  	[smem:$0x3FB7] =	sst s8  }
0x11: {  	[smem:$0x3FB8] =	sst s9;
	s0 =	simm.s32 @!p0 $0x0  }
0x12: {  	s1 =	sld [smem:$0x3F9E];
	s0 =	simm.s32 @p0 $0x1  }
0x13: {  	[smem:$0x3FB9] =	sst s0;
	s0 =	simm.s32 @!p1 $0x0  }
0x14: {  	s2 =	sld [smem:$0x3F9D];
	s0 =	simm.s32 @p1 $0x1  }
0x15: {  	[smem:$0x3FBA] =	sst s0;
	s0 =	simm.s32 @!p2 $0x0  }
0x16: {  	s3 =	sld [smem:$0x3FDB];
	s0 =	simm.s32 @p2 $0x1  }
0x17: {  	s4 =	simm.s32 $0x1BF5;
	[smem:$0x3FBC] =	sst s0  }
0x18: {  	s0 =	sld [smem:$0x3F9F];
	_ =	swait.ge [sflag:s4], $0x0  }
0x19: {  	s7 =	sld [smem:$0x3FA0]  }
0x1a: {  	s8 =	sadd.s32 $0xFFFFE003, lr  }
0x1b: {  	s9 =	sadd.s32 $0xFFFFFEF7, lr;
	s5 =	simm.s32 $0xFFFFFFFF;
	p2 =	slt.u32 s8, $0xFFFFF086  }
0x1c: {  	p1 =	slt.u32 s9, $0xF7A;
	s5 =	simm.s32 @!p2 $0x0  }
0x1d: {  	s5 =	simm.s32 @p1 $0x1;
	p0 =	seq.s32 s7, s2  }
0x1e: {  	s7 =	smul.u32 @!p0 $0xF7A, s2;
	p2 =	seq.s32 @!p0 s5, $0x0  }
0x1f: {  	s9 =	smul.u32 $0xF7A, s1;
	s8 =	simm.s32 @!p0 $0x1BF5;
	p2 =	por !p2, p0  }
0x20: {  	[sflag:s8] =	ssyncset.s32 @!p0 $0xFFFFF086;
	s6 =	sadd.s32 @!p0 s3, s7;
	s7 =	simm.s32 @!p0 $0x108  }
0x21: {  	s3 =	sadd.s32 s3, s9;
	s6 =	sadd.s32 @!p0 $0x88, s6;
	s7 =	simm.s32 @p2 $0x1082  }
0x22: {  	[simem:s7], [sflag:s8] =	dma.local @!p0 [hbm:s6], $0xF7A  }
0x23: {  	s9 =	sor.u32 $0xD0000000, s2;
	s6 =	simm.s32 $0x108;
	_ =	swait.ge @!p0 [sflag:s8], $0x0  }
0x24: {  	s3 =	sadd.s32 $0x88, s3;
	s6 =	simm.s32 @!p1 $0x1082;
	[sflag:s4] =	ssyncset.s32 $0xFFFFF086  }
0x25: {  	[simem:s6], [sflag:s4] =	dma.local [hbm:s3], $0xF7A  }
0x26: {  	[smem:$0x3FA0] =	sst s1;
	(tag) =	ssettag s2;
	_ =	strace s9  }
0x27: {  	s1 =	sld [smem:$0x3FB0]  }
0x28: {  	s2 =	sld [smem:$0x3FB1]  }
0x29: {  	s4 =	sld [smem:$0x3FB3]  }
0x2a: {  	p0 =	seq.s32 s5, $0x0;
	s5 =	sld [smem:$0x3FB4]  }
0x2b: {  	s6 =	sld [smem:$0x3FB5]  }
0x2c: {  	s7 =	sld [smem:$0x3FB6]  }
0x2d: {  	s3 =	simm.s32 $0x108;
	s8 =	sld [smem:$0x3FB7]  }
0x2e: {  	s3 =	simm.s32 @!p0 $0x1082;
	s9 =	sld [smem:$0x3FB8]  }
0x2f: {  	lr =	sadd.s32 s0, s3;
	s0 =	sld [smem:$0x3FAF]  }
0x30: {  	s3 =	sld [smem:$0x3FB2]  }
0x31: {  	[smem:$0x3FBB] =	sst s10  }
0x32: {  	s10 =	sld [smem:$0x3FB9];
	_ =	sdelay $0x3  }
0x33: {  	p0 =	seq.s32 s10, $0x1;
	s10 =	sld [smem:$0x3FBB];
	_ =	sdelay $0x3  }
0x34: {  	[smem:$0x3FBB] =	sst s10  }
0x35: {  	s10 =	sld [smem:$0x3FBA];
	_ =	sdelay $0x3  }
0x36: {  	p1 =	seq.s32 s10, $0x1;
	s10 =	sld [smem:$0x3FBB];
	_ =	sdelay $0x3  }
0x37: {  	[smem:$0x3FBB] =	sst s10  }
0x38: {  	s10 =	sld [smem:$0x3FBC]  }
0x39: {  	_ = 	snop;
	(pc) =	sbr.ind lr, $3  }
0x3a: {  	_ = 	snop  }
0x3b: {  	_ = 	snop  }
0x3c: {  	p2 =	seq.s32 s10, $0x1;
	s10 =	sld [smem:$0x3FBB]  }
0x3d: {  	_ =	shalt  }
0x3e: {  	_ =	shalt  }
0x3f: {  	_ =	shalt  }
0x40: {  	_ =	shalt  }
0x41: {  	_ =	shalt  }
0x42: {  	_ =	shalt  }
0x43: {  	_ =	shalt  }
0x44: {  	_ =	shalt  }
0x45: {  	_ =	shalt  }
0x46: {  	_ =	shalt  }
0x47: {  	_ =	shalt  }
0x48: {  	_ =	shalt  }
0x49: {  	_ =	shalt  }
0x4a: {  	_ =	shalt  }
0x4b: {  	_ =	shalt  }
0x4c: {  	_ =	shalt  }
0x4d: {  	_ =	shalt  }
0x4e: {  	_ =	shalt  }
0x4f: {  	_ =	shalt  }
0x50: {  	_ =	shalt  }
0x51: {  	_ =	shalt  }
0x52: {  	_ =	shalt  }
0x53: {  	_ =	shalt  }
0x54: {  	_ =	shalt  }
0x55: {  	_ =	shalt  }
0x56: {  	_ =	shalt  }
0x57: {  	_ =	shalt  }
0x58: {  	_ =	shalt  }
0x59: {  	_ =	shalt  }
0x5a: {  	_ =	shalt  }
0x5b: {  	_ =	shalt  }
0x5c: {  	_ =	shalt  }
0x5d: {  	_ =	shalt  }
0x5e: {  	_ =	shalt  }
0x5f: {  	_ =	shalt  }
0x60: {  	_ =	shalt  }
0x61: {  	_ =	shalt  }
0x62: {  	_ =	shalt  }
0x63: {  	_ =	shalt  }
0x64: {  	_ =	shalt  }
0x65: {  	_ =	shalt  }
0x66: {  	_ =	shalt  }
0x67: {  	_ =	shalt  }
0x68: {  	_ =	shalt  }
0x69: {  	_ =	shalt  }
0x6a: {  	_ =	shalt  }
0x6b: {  	_ =	shalt  }
0x6c: {  	_ =	shalt  }
0x6d: {  	_ =	shalt  }
0x6e: {  	_ =	shalt  }
0x6f: {  	_ =	shalt  }
0x70: {  	_ =	shalt  }
0x71: {  	_ =	shalt  }
0x72: {  	_ =	shalt  }
0x73: {  	_ =	shalt  }
0x74: {  	_ =	shalt  }
0x75: {  	_ =	shalt  }
0x76: {  	_ =	shalt  }
0x77: {  	_ =	shalt  }
0x78: {  	_ =	shalt  }
0x79: {  	_ =	shalt  }
0x7a: {  	_ =	shalt  }
0x7b: {  	_ =	shalt  }
0x7c: {  	_ =	shalt  }
0x7d: {  	_ =	shalt  }
0x7e: {  	_ =	shalt  }
0x7f: {  	_ =	shalt  }
0x80: {  	_ =	shalt  }
0x81: {  	_ =	shalt  }
0x82: {  	_ =	shalt  }
0x83: {  	_ =	shalt  }
0x84: {  	_ =	shalt  }
0x85: {  	_ =	shalt  }
0x86: {  	_ =	shalt  }
0x87: {  	_ =	shalt  }
.Lfunc_end0:
.L_simem_size_0:
called_computation_lowered:
.L_overlay_start_0:
0x88: {  	s2 =	sld [smem:$0x3FD9]  }
0x89: {  	s3 =	sld [smem:$0x3FFE];
	_ =	sdelay $0x1  }
0x8a: {  	s1 =	srdreg.scid  }
0x8b: {  	s0 =	sand.u32 $0x1, s1  }
0x8c: {  	s16 =	sshll.u32 s0, $0xA;
	s2 =	sadd.s32 s3, s2  }
0x8d: {  	s2 =	sadd.s32 s2, s16  }
0x8e: {  	[smem:$0x3FC7] =	sst s2  }
0x8f: {  	_ = 	snop  }
0x90: {  	(tm) =	ssettm $0x1  }
0x91: {  	s17 =	sld [smem:$0x3FFB];
	_ =	sdelay $0x3  }
0x92: {  	_ =	strace s17  }
0x93: {  	s2 =	sld [smem:$0x3FFC];
	_ =	sdelay $0x3  }
0x94: {  	_ =	strace s2  }
0x95: {  	s2 =	sld [smem:$0x3FFD];
	_ =	sdelay $0x3  }
0x96: {  	_ =	strace s2  }
0x97: {  	_ =	strace $0x8FFFFFFF  }
0x98: {  	s18 =	sld [smem:$0x3FDB];
	_ =	sdelay $0x1  }
0x99: {  	s19 =	simm.s32 $_scs_section_size  }
0x9a: {  	s4 =	simm.s32 $_size__tile_overlayer_lowered;
	s5 =	simm.s32 $_tile_overlayer_lowered  }
0x9b: {  	s22 =	simm.s32 $0x1BFF;
	s21 =	sshll.u32 s5, $0x1;
	s2 =	sadd.s32 s19, s18  }
0x9c: {  	s6 =	simm.s32 $0x0;
	s20 =	sshll.u32 s4, $0x1;
	s4 =	sadd.s32 s21, s2  }
0x9d: {  	[timem:s6], [sflag:s22] =	dma.local [hbm:s4], s20  }
0x9e: {  	_ =	swait.ge [sflag:s22], s20  }
0x9f: {  	s3 =	ssub.s32 $0x0, s20;
	[sflag:s22] =	ssyncset.done $0x0  }
0xa0: {  	[sflag:s22] =	ssyncadd.s32 s3;
	_ =	sdelay $0x1  }
0xa1: {  	s23 =	simm.s32 $0x1B8B  }
0xa2: {  	_ =	swait.ge [sflag:s23], $0x1  }
0xa3: {  	[sflag:s23] =	ssyncset.done $0x0  }
0xa4: {  	s25 =	simm.s32 $0x1B8E;
	s24 =	sld [smem:$0x3FFE];
	[sflag:s23] =	ssyncadd.s32 $0xFFFFFFFF  }
0xa5: {  	s26 =	simm.s32 $execute0_lowered;
	[smem:$0x3FD2] =	sst s25  }
0xa6: {  	s4 =	sshll.u32 s26, $0x1;
	_ =	strace $0x80000046;
	[dreg:$0x1] =	wrdreg $0xFFFFFFFF  }
0xa7: {  	s28 =	simm.s32 $_size_execute0_lowered;
	s2 =	sadd.s32 s2, s4;
	[dreg:$0x0] =	wrdreg $0x0  }
0xa8: {  	s4 =	sshll.u32 s28, $0x1;
	[dreg:$0x2] =	wrdreg s2  }
0xa9: {  	[dreg:$0x3] =	wrdreg s4  }
0xaa: {  	[dreg:$0x4] =	wrdreg $0xC0  }
0xab: {  	_ =	task [dreg:s6], $0x5FFFF  }
0xac: {  	[dreg:$0x1] =	wrdreg $0xFFFFFFFF  }
0xad: {  	[dreg:$0x0] =	wrdreg $0x60  }
0xae: {  	[dreg:$0x2] =	wrdreg s24  }
0xaf: {  	[dreg:$0x3] =	wrdreg $0x9  }
0xb0: {  	_ =	task.clear_ibuf [dreg:s6], $0x4FFFF;
	_ =	strace $0x90000046  }
0xb1: {  	s29 =	simm.s32 $0x9;
	_ =	strace $0x80000048  }
0xb2: {  	_ =	swait.ge [sflag:s29], $0x1  }
0xb3: {  	[sflag:s29] =	ssyncadd.s32 $0xFFFFFFFF  }
0xb4: {  	_ =	strace $0x90000048  }
0xb5: {  	_ =	sfence  }
0xb6: {  	s30 =	sld [smem:$0x0];
	_ =	sdelay $0x2  }
0xb7: {  	s31 =	sshll.u32 s1, $0xD;
	s1 =	sshrl.u32 s1, $0x2  }
0xb8: {  	s3 =	sand.u32 $0x4000, s31;
	s1 =	sadd.s32 s1, s30  }
0xb9: {  	s0 =	sor.u32 s3, s0;
	s1 =	sshll.u32 s1, $0x11  }
0xba: {  	s0 =	sor.u32 s1, s0  }
0xbb: {  	s0 =	sadd.s32 $0x8F2B, s0  }
0xbc: {  	[sflag:s0] =	ssyncadd.remote.s32 $0x1  }
0xbd: {  	_ =	sfence.sel $0xFFFF  }
0xbe: {  	[dreg:$0x0] =	wrdreg $0xFFFFFFFF;
	(pc) =	sbr.abs _section_cstart, $3  }
0xbf: {  	[dreg:$0x1] =	wrdreg $0xFFFFFFFF  }
0xc0: {  	_ =	task.clear_ibuf [dreg:s6], $0x2FFFF;
	_ =	strace $0x9FFFFFFF  }
0xc1: {  	(tm) =	ssettm $0x7FFFFFFF  }
tec
execute0_lowered:
.L_overlay_start_1:
0x0: {  	(tag) =	ssettag $0x1  }
0x1: {  	s1 =	srdreg.scid  }
0x2: {  	s0 =	stileid.u32;
	s2 =	rddreg [dreg:$0x0];
	s6 =	simm.s32 $0x1  }
0x3: {  	s9 =	simm.s32 $0x1;
	s10 =	simm.s32 $0x3;
	s1 =	sshll.u32 s1, $0x8  }
0x4: {  	s13 =	simm.s32 $0x0;
	s3 =	sshll.u32 s0, $0x9;
	s4 =	sand.u32 $0x100, s1  }
0x5: {  	s12 =	simm.s32 $0x0;
	s5 =	sadd.s32 $0x5800, s2;
	s3 =	sor.u32 s3, s4  }
0x6: {  	s1 =	rddreg [dreg:$0x1];
	_ =	strace $0x80000047;
	s8 =	ssub.s32 $0x4000, s3  }
.Ltmp0:
0x7: {  	s4 =	sadd.s32 $0x5000, s2;
	s7 =	sand.u32 $0x1F00, s8;
	(pc) =	sbr.rel .LBB2_1-.Ltmp0, $4  }
0x8: {  	[sflag:s6] =	ssyncpa.u1 $0x0;
	s11 =	smov.u32 s3;
	p0 =	sne.s32 s7, $0x0  }
0x9: {  	s8 =	sshrl.u32 s8, $0xD;
	s7 =	simm.s32 $0x2;
	s9 =	simm.s32 @!p0 $0x0  }
0xa: {  	[sflag:s7] =	ssyncpa.u1 $0x0;
	p0 =	por $0x0, $0x0;
	s8 =	sadd.s32 s9, s8  }
0xb: {  	vm0 =	vmmov $0xffff;
	[sflag:s10] =	ssyncpa.u1 $0x0;
	s10 =	simm.s32 $0x0;
	s9 =	sadd.s32 $0x1, s8  }
.LBB2_4:
0xc: {  	vm1 =	veq.s32 v4, $0x80000000;
	v56 =	vand.u32 $0x7, v4;
	v6 =	vand.u32 $0x7FFF, v6  }
0xd: {  	v2 =	vor.u32 v2, v5;
	v59 =	vshrl.u32 v1, $0x3;
	v60 =	vand.u32 $0x7, v1  }
0xe: {  	v4 =	vsel vm1, $0xFFFFFFFF, v56;
	v6 =	vsel vm1, $0xFFFFFFFF, v6;
	v2 =	vor.u32 v3, v2  }
0xf: {  	vm1 =	veq.s32 v1, $0x80000000;
	v5 =	vand.u32 $0x7FFF, v59;
	v7 =	vshrl.u32 v4, $0x3  }
0x10: {  	v57 =	vshll.u32 v6, $0x3;
	v4 =	vshll.u32 v4, $0x7;
	v1 =	vsel vm1, $0xFFFFFFFF, v60  }
0x11: {  	v5 =	vsel vm1, $0xFFFFFFFF, v5;
	v6 =	vand.u32 $0x7F, v6;
	v7 =	vmul.u32 $0x27400, v7  }
0x12: {  	v58 =	vand.u32 $0xFFFFFC00, v57;
	v4 =	vand.u32 $0x380, v4;
	v61 =	vshrl.u32 v1, $0x3  }
0x13: {  	v62 =	vshll.u32 v5, $0x3;
	v3 =	vadd.s32 v7, v58;
	v7 =	vmul.u32 $0x27400, v61  }
0x14: {  	v1 =	vshll.u32 v1, $0x7;
	v3 =	vor.u32 v4, v3;
	v4 =	vand.u32 $0xFFFFFC00, v62  }
0x15: {  	v1 =	vand.u32 $0x380, v1;
	v3 =	vor.u32 v6, v3;
	v4 =	vadd.s32 v7, v4  }
0x16: {  	[tilespmem:s16], [sflag:$0x1] =	stream.indirect_vreg.gather [hbm4b:s2+s10], $0x1, v0, vm0, $0x4038;
	v63 =	vand.u32 $0x7F, v5;
	v1 =	vor.u32 v1, v4;
	[tilespmem:$0x400] =	vst v63  }
0x17: {  	s15 =	sadd.s32 $0x10, s15;
	(ifvalue) =	ssetifvalue $0x7FFFFFFF;
	v0 =	vor.u32 v63, v1  }
0x18: {  	[tilespmem:s15], [sflag:$0x1] =	stream.indirect_vreg.gather [hbm4b:s2+s10], $0x1, v2, vm0, $0x4038;
	[tilespmem:$0x400] =	vst v63  }
0x19: {  	s15 =	sadd.s32 $0x10, s15;
	(ifvalue) =	ssetifvalue $0x7FFFFFFF  }
0x1a: {  	[tilespmem:s15], [sflag:$0x1] =	stream.indirect_vreg.gather [hbm4b:s2+s10], $0x1, v3, vm0, $0x4038;
	[tilespmem:$0x400] =	vst v63  }
0x1b: {  	s15 =	sadd.s32 $0x10, s15;
	(ifvalue) =	ssetifvalue $0x7FFFFFFF  }
0x1c: {  	[tilespmem:s15], [sflag:$0x1] =	stream.indirect_vreg.gather [hbm4b:s2+s10], $0x1, v0, vm0, $0x4038;
	[tilespmem:$0x400] =	vst v63  }
0x1d: {  	_ =	swait.ge [sflag:s6], $0x100  }
0x1e: {  	s30 =	sshrl.u32 s13, $0x3;
	[sflag:s6] =	ssyncset.done $0x0  }
0x1f: {  	s31 =	sand.u32 $0x7, s13;
	s15 =	sadd.s32 s5, s30;
	[sflag:s6] =	ssyncadd.s32 $0xFFFFFF00  }
0x20: {  	[hbm4b:s15+s31] =	stream.linear.scatter [tilespmem:s14], [sflag:$0x3], $0x100, $0x38;
	[tilespmem:$0x400] =	vst v63  }
.LBB2_5:
0x21: {  	s15 =	sadd.s32 $0x2000, s11  }
0x22: {  	p2 =	sgt.s32 s15, $0x3FFF  }
0x23: {  	s15 =	smov.u32 @p2 s3;
	p2 =	sne.s32 s12, s9  }
.Ltmp1:
0x24: {  	p1 =	slt.u32 s12, $0x2;
	(pc) =	sbr.rel @!p2 .LBB2_6-.Ltmp1, $4  }
0x25: {  	s14 =	simm.s32 @!p1 $0x3  }
0x26: {  	s16 =	sadd.s32 $0x1, s12;
	_ =	swait.ge @!p1 [sflag:s14], $0x100  }
0x27: {  	s13 =	smov.u32 s11;
	p0 =	por !p0, !p0;
	[sflag:s14] =	ssyncset.done @!p1 $0x0  }
0x28: {  	s12 =	smov.u32 s16;
	s11 =	smov.u32 s15;
	[sflag:s14] =	ssyncadd.s32 @!p1 $0xFFFFFF00  }
.LBB2_1:
0x29: {  	p1 =	sge.u32 s12, s8  }
0x2a: {  	s14 =	sxor.u32 @!p1 $0xFFFFFFFF, s12  }
0x2b: {  	s31 =	sadd.s32 $0xFFFFFFFF, s12;
	s15 =	sshrl.u32 @!p1 s11, $0x3;
	s14 =	sshll.u32 @!p1 s14, $0x8  }
0x2c: {  	s16 =	sand.u32 @!p1 $0x7, s11;
	s15 =	sadd.s32 @!p1 s4, s15;
	s14 =	sand.u32 @!p1 $0x100, s14  }
0x2d: {  	[tilespmem:s14], [sflag:$0x2] =	stream.linear.gather @!p1 [hbm4b:s15+s16], $0x100, $0x38;
	[tilespmem:$0x400] =	vst v63  }
0x2e: {  	p1 =	sge.u32 s31, s8  }
.Ltmp2:
0x2f: {  	_ = 	snop;
	(pc) =	sbr.rel @p1 .LBB2_5-.Ltmp2, $1  }
0x30: {  	_ =	sdelay $0x3  }
0x31: {  	s14 =	simm.s32 $0x1  }
0x32: {  	_ =	swait.ge [sflag:s7], $0x100;
	s14 =	simm.s32 @!p0 $0x0  }
0x33: {  	[sflag:s7] =	ssyncset.done $0x0;
	s14 =	sshll.u32 s14, $0x8  }
0x34: {  	[sflag:s7] =	ssyncadd.s32 $0xFFFFFF00;
	(ifvalue) =	ssetifvalue $0x7FFFFFFF;
	v0 =	vld.msk [tilespmem:s14+$0x0 ss:$0x1], $0xffff  }
0x35: {  	s15 =	sadd.s32 $0x10, s14  }
0x36: {  	v1 =	vld.msk [tilespmem:s15+$0x0 ss:$0x1], $0xffff;
	_ =	sdelay $0x2  }
0x37: {  	v2 =	vshrl.u32 v0, $0x3  }
0x38: {  	vm1 =	veq.s32 v0, $0x80000000;
	v0 =	vand.u32 $0x7, v0;
	v2 =	vand.u32 $0x7FFF, v2  }
0x39: {  	v0 =	vsel vm1, $0xFFFFFFFF, v0;
	v6 =	vshrl.u32 v1, $0x3;
	v2 =	vsel vm1, $0xFFFFFFFF, v2  }
0x3a: {  	v3 =	vshrl.u32 v0, $0x3;
	v0 =	vshll.u32 v0, $0x7;
	vm1 =	veq.s32 v1, $0x80000000  }
0x3b: {  	s15 =	sadd.s32 $0x10, s15;
	v1 =	vand.u32 $0x7, v1;
	v4 =	vshll.u32 v2, $0x3;
	v3 =	vmul.u32 $0x27400, v3  }
0x3c: {  	v0 =	vand.u32 $0x380, v0;
	v7 =	vand.u32 $0x7F, v2;
	v5 =	vand.u32 $0xFFFFFC00, v4;
	v4 =	vld.msk [tilespmem:s15+$0x0 ss:$0x1], $0xffff  }
0x3d: {  	v1 =	vsel vm1, $0xFFFFFFFF, v1;
	v2 =	vadd.s32 v3, v5;
	v3 =	vand.u32 $0x7FFF, v6  }
0x3e: {  	v3 =	vsel vm1, $0xFFFFFFFF, v3;
	v0 =	vor.u32 v0, v2;
	v2 =	vshrl.u32 v1, $0x3  }
0x3f: {  	s16 =	sshll.u32 s12, $0x8;
	s18 =	simm.s32 $0x30;
	v1 =	vshll.u32 v1, $0x7;
	v5 =	vshll.u32 v3, $0x3;
	v8 =	vmul.u32 $0x27400, v2  }
0x40: {  	s31 =	sand.u32 $0x100, s16;
	s17 =	sadd.s32 $0x10, s15;
	s15 =	sor.u32 $0x200, s14;
	v2 =	vand.u32 $0x380, v1;
	v0 =	vor.u32 v7, v0;
	v5 =	vand.u32 $0xFFFFFC00, v5  }
0x41: {  	s14 =	sor.u32 $0x200, s31;
	s16 =	smov.u32 s15;
	v1 =	vld.msk [tilespmem:s17+$0x0 ss:$0x1], $0xffff;
	v3 =	vand.u32 $0x7F, v3;
	(ifvalue) =	ssetifvalue $0x7FFFFFFF;
	v6 =	vshrl.u32 v4, $0x3;
	v5 =	vadd.s32 v8, v5  }
.LBB2_3:
0x42: {  	s18 =	sadd.s32 $0x10, s18  }
0x43: {  	vm1 =	veq.s32 v4, $0x80000000;
	v4 =	vand.u32 $0x7, v4;
	v6 =	vand.u32 $0x7FFF, v6;
	s15 =	sadd.s32 $0x10, s15;
	p1 =	slt.u32 s18, $0xF0  }
.Ltmp3:
0x44: {  	v5 =	vor.u32 v2, v5;
	v4 =	vsel vm1, $0xFFFFFFFF, v4;
	v7 =	vsel vm1, $0xFFFFFFFF, v6;
	(pc) =	sbr.rel @p1 .LBB2_3-.Ltmp3, $4  }
0x45: {  	v2 =	vshrl.u32 v4, $0x3;
	v6 =	vshll.u32 v7, $0x3;
	v4 =	vshll.u32 v4, $0x7;
	[tilespmem:s16], [sflag:$0x1] =	stream.indirect_vreg.gather [hbm4b:s2+s10], $0x1, v0, vm0, $0x4038;
	[tilespmem:$0x400] =	vst v63  }
0x46: {  	v0 =	vor.u32 v3, v5;
	s16 =	smov.u32 s15;
	v8 =	vmul.u32 $0x27400, v2;
	v2 =	vand.u32 $0x380, v4  }
0x47: {  	s17 =	sadd.s32 $0x10, s17;
	v9 =	vand.u32 $0xFFFFFC00, v6  }
0x48: {  	v3 =	vand.u32 $0x7F, v7;
	v6 =	vshrl.u32 v1, $0x3;
	v5 =	vadd.s32 v8, v9;
	(ifvalue) =	ssetifvalue $0x7FFFFFFF;
	v4 =	vmovc v1;
	v1 =	vld.msk [tilespmem:s17+$0x0 ss:$0x1], $0xffff  }
.Ltmp4:
0x49: {  	_ = 	snop;
	(pc) =	sbr.rel .LBB2_4-.Ltmp4, $1  }
0x4a: {  	_ =	sdelay $0x3  }
.LBB2_6:
0x4b: {  	_ =	sfence.sel $0x180000  }
0x4c: {  	s2 =	simm.s32 $0x2;
	[bflag:$0x0] =	sbarrier.arrive $0xFFFF  }
0x4d: {  	s30 =	simm.s32 $0x3;
	[sflag:s2] =	ssyncpa.u1 $0x1  }
0x4e: {  	s31 =	simm.s32 $0x1;
	[sflag:s30] =	ssyncpa.u1 $0x1  }
0x4f: {  	[sflag:s31] =	ssyncpa.u1 $0x1  }
0x50: {  	p0 =	sne.s32 s0, $0x0;
	_ =	strace $0x90000047  }
0x51: {  	s0 =	sadd.s32 @!p0 $0x100000, s1;
	[bflag:$0x2] =	sbarrier.arrive $0xFFFF  }
0x52: {  	[sflag:s0] =	ssyncadd.tile.s32 @!p0 $0x1;
	_ =	shalt  }
.Lfunc_end2:
_tile_overlayer_lowered:
.L_overlay_start_2:
0x53: {  	(tag) =	ssettag $0x2  }
0x54: {  	s0 =	rddreg [dreg:$0x0];
	s2 =	stileid.u32  }
0x55: {  	s1 =	rddreg [dreg:$0x1];
	p0 =	sne.s32 s2, $0x0  }
0x56: {  	s3 =	rddreg [dreg:$0x2];
	[bflag:$0x3] =	sbarrier.arrive $0xFFFF;
	s2 =	simm.s32 @!p0 $0x1C01  }
0x57: {  	[timem:s3], [sflag:s2] =	dma.local @!p0 [hbm:s0], s1  }
0x58: {  	s0 =	simm.s32 @!p0 $0x1  }
0x59: {  	_ =	swait.ge @!p0 [sflag:s0], s1  }
0x5a: {  	s1 =	ssub.s32 @!p0 $0x0, s1;
	[sflag:s0] =	ssyncset.done @!p0 $0x0  }
0x5b: {  	[sflag:s0] =	ssyncadd.s32 @!p0 s1  }
0x5c: {  	[bflag:$0x3] =	sbarrier.arrive $0xFFFF  }
0x5d: {  	_ =	shalt  }

</sc_bundles>
